<compile_context>
chip_gen: v7x
topology: tpu7x:2x2x1
jax: 0.10.2.dev20260603
libtpu: 0.0.44.dev20260713+nightly
codegen_flags: <defaults>
</compile_context>

<pallas_src>
import functools

import jax
import jax.numpy as jnp
from jax import lax
from jax.experimental import pallas as pl
from jax.experimental.pallas import tpu as pltpu
from jax.experimental.pallas import tpu_sc as plsc

VOCAB = 100000
DIM = 256
BATCH = 1024
SEQ = 50

NC = 2
NS = 16
NW = NC * NS
BPW = BATCH // NW
LANES = 16

HALF = 128
SEQ2 = 2 * SEQ

_MESH = plsc.VectorSubcoreMesh(core_axis_name="c", subcore_axis_name="s")


@functools.partial(
    pl.kernel,
    mesh=_MESH,
    out_type=jax.ShapeDtypeStruct((BATCH, DIM), jnp.float32),
    scratch_types=[
        pltpu.VMEM((BPW, SEQ2), jnp.int32),
        pltpu.VMEM((SEQ2, HALF), jnp.float32),
        pltpu.VMEM((1, DIM), jnp.float32),
        pltpu.SemaphoreType.DMA,
    ],
)
def _pool(idx_hbm, table_hbm, h_hbm, idx_v, rows_v, hrow_v, sem):
    wid = lax.axis_index("s") * NC + lax.axis_index("c")
    base = wid * BPW
    pltpu.sync_copy(idx_hbm.at[pl.ds(base, BPW)], idx_v)

    def row_body(r, carry):
        pltpu.async_copy(table_hbm.at[idx_v.at[r]], rows_v, sem).wait()
        for c in range(HALF // LANES):
            def lo(j, acc):
                return acc + rows_v[2 * j, pl.ds(c * LANES, LANES)]
            def hi(j, acc):
                return acc + rows_v[2 * j + 1, pl.ds(c * LANES, LANES)]
            acc_lo = lax.fori_loop(0, SEQ, lo, jnp.zeros((LANES,), jnp.float32))
            acc_hi = lax.fori_loop(0, SEQ, hi, jnp.zeros((LANES,), jnp.float32))
            hrow_v[0, pl.ds(c * LANES, LANES)] = acc_lo * (1.0 / SEQ)
            hrow_v[0, pl.ds(HALF + c * LANES, LANES)] = acc_hi * (1.0 / SEQ)
        pltpu.sync_copy(hrow_v, h_hbm.at[pl.ds(base + r, 1)])
        return carry

    lax.fori_loop(0, BPW, row_body, 0)


def _mm_body(h_ref, w_ref, b_ref, out_ref):
    out_ref[...] = (
        lax.dot_general(
            h_ref[...], w_ref[...],
            (((1,), (1,)), ((), ())),
            preferred_element_type=jnp.float32,
        )
        + b_ref[...]
    )


def _project(h, proj_weight, proj_bias, bn=2048):
    nblk = (VOCAB + bn - 1) // bn
    return pl.pallas_call(
        _mm_body,
        grid=(nblk,),
        in_specs=[
            pl.BlockSpec((BATCH, DIM), lambda i: (0, 0)),
            pl.BlockSpec((bn, DIM), lambda i: (i, 0)),
            pl.BlockSpec((1, bn), lambda i: (0, i)),
        ],
        out_specs=pl.BlockSpec((BATCH, bn), lambda i: (0, i)),
        out_shape=jax.ShapeDtypeStruct((BATCH, VOCAB), jnp.float32),
    )(h, proj_weight, proj_bias.reshape(1, VOCAB))


@jax.jit
def kernel(indices, embed_weight, proj_weight, proj_bias):
    idx = indices.astype(jnp.int32)
    idx2 = jnp.stack([2 * idx, 2 * idx + 1], axis=-1).reshape(BATCH, SEQ2)
    table2 = embed_weight.reshape(2 * VOCAB, HALF)
    h = _pool(idx2, table2)
    return _project(h, proj_weight, proj_bias)

# --- scband reference (transcript-rebuilt; emitter-appended) ---
"""Pipeline reference for scband-text-model-31147102831256 (READ-ONLY COPY).

The authoritative reference and input builder live on the scoring server;
editing this copy changes nothing except your own understanding.
"""

import jax, jax.numpy as jnp
import numpy as np

VOCAB = 100000
DIM_EMB = 256
DIM_H = 256
BATCH = 1024
SEQ = 50
INITRANGE = 0.1


def setup_inputs(seed: int = 0) -> dict:
    key = jax.random.key(seed)
    k1, k2, k3 = jax.random.split(key, 3)
    indices = jax.random.randint(k1, (BATCH, SEQ), 0, VOCAB, dtype=jnp.int64)
    # nn.Embedding weight initialized uniform(-initrange, initrange)
    embed_weight = jax.random.uniform(k2, (VOCAB, DIM_EMB), dtype=jnp.float32, minval=-INITRANGE, maxval=INITRANGE)
    # nn.Linear(dim_h, vocab): weight [vocab, dim_h], bias zero
    proj_weight = jax.random.uniform(k3, (VOCAB, DIM_H), dtype=jnp.float32, minval=-INITRANGE, maxval=INITRANGE)
    proj_bias = jnp.zeros((VOCAB,), dtype=jnp.float32)
    return {"indices": indices, "embed_weight": embed_weight, "proj_weight": proj_weight, "proj_bias": proj_bias}


def reference(indices, embed_weight, proj_weight, proj_bias):
    # embed lookup: equivalent of self.embed(indices)
    emb = jnp.take(embed_weight, indices, axis=0)  # [B, L, dim_emb]
    # pool token embeddings into a hidden state (dim_emb == dim_h), then project to vocab logits
    h = emb.mean(axis=1)  # [B, dim_h]
    logits = h @ proj_weight.T + proj_bias  # [B, vocab]
    return logits

if __name__ == "__main__":
    import jax
    _d = setup_inputs()
    print(jax.jit(kernel)(*tuple(_d.values())))

</pallas_src>

<mosaic_0001>
#map = affine_map<(d0, d1) -> (0, 0)>
module attributes {stable_mosaic.version = 14 : i64} {
  func.func @_pool(%arg0: i32, %arg1: i32, %arg2: memref<1024x100xi32, #tpu.memory_space<hbm>>, %arg3: memref<200000x128xf32, #tpu.memory_space<hbm>>, %arg4: memref<1024x256xf32, #tpu.memory_space<hbm>>, %arg5: memref<32x100xi32, #tpu.memory_space<vmem>>, %arg6: memref<100x128xf32, #tpu.memory_space<vmem>>, %arg7: memref<1x256xf32, #tpu.memory_space<vmem>>, %arg8: memref<!tpu.dma_semaphore, #tpu.memory_space<semaphore_mem>>) attributes {dimension_semantics = [#tpu.dimension_semantics<core_parallel>, #tpu.dimension_semantics<subcore_parallel>], iteration_bounds = array<i64: 2, 16>, scalar_prefetch = 0 : i64, scratch_operands = 4 : i64, tpu.core_type = #tpu.core_type<sc_vector_subcore>, window_params = [{transform_indices = #map}, {transform_indices = #map}, {transform_indices = #map}]} {
    %mul3A = arith.constant 2 : i32
    %mul3A_0 = arith.muli %arg1, %mul3A : i32
    %add3A = arith.addi %mul3A_0, %arg0 : i32
    %mul3A_1 = arith.constant 32 : i32
    %mul3A_2 = arith.muli %add3A, %mul3A_1 : i32
    "tpu.region"() ({
      %run_scoped3A = tpu.sem_alloc : memref<!tpu.dma_semaphore, #tpu.memory_space<semaphore_mem>>
      %dma_start3A = arith.constant 0 : i32
      %dma_start3A_8 = tpu.memref_slice %arg2[%mul3A_2, %dma_start3A] : memref<1024x100xi32, #tpu.memory_space<hbm>> -> memref<32x100xi32, #tpu.memory_space<hbm>>
      %dma_start3A_9 = arith.constant 0 : i32
      %dma_start3A_10 = tpu.memref_slice %arg2[%mul3A_2, %dma_start3A_9] : memref<1024x100xi32, #tpu.memory_space<hbm>> -> memref<32x100xi32, #tpu.memory_space<hbm>>
      tpu.enqueue_dma source(%dma_start3A_10 : memref<32x100xi32, #tpu.memory_space<hbm>>) target(%arg5 : memref<32x100xi32, #tpu.memory_space<vmem>>) target_semaphore(%run_scoped3A : memref<!tpu.dma_semaphore, #tpu.memory_space<semaphore_mem>>)
      %dma_wait3A = arith.constant 0 : i32
      %dma_wait3A_11 = tpu.memref_slice %arg2[%mul3A_2, %dma_wait3A] : memref<1024x100xi32, #tpu.memory_space<hbm>> -> memref<32x100xi32, #tpu.memory_space<hbm>>
      %dma_wait3A_12 = arith.constant 0 : i32
      %dma_wait3A_13 = tpu.memref_slice %arg2[%mul3A_2, %dma_wait3A_12] : memref<1024x100xi32, #tpu.memory_space<hbm>> -> memref<32x100xi32, #tpu.memory_space<hbm>>
      tpu.wait_dma2 semaphore(%run_scoped3A : memref<!tpu.dma_semaphore, #tpu.memory_space<semaphore_mem>>) src(%dma_wait3A_13 : memref<32x100xi32, #tpu.memory_space<hbm>>) dst(%arg5 : memref<32x100xi32, #tpu.memory_space<vmem>>)
      tpu.yield
    }) : () -> ()
    %scan3A = arith.constant 0 : i32
    %scan3A_3 = arith.constant 0 : i32
    %scan3A_4 = arith.constant 32 : i32
    %scan3A_5 = arith.addi %scan3A_3, %scan3A_4 : i32
    %scan3A_6 = arith.constant 1 : i32
    scf.for %scan3A_8 = %scan3A_3 to %scan3A_5 step %scan3A_6  : i32 {
      %dma_start3A = arith.constant 0 : i32
      %dma_start3A_9 = tpu.memref_slice %arg5[%scan3A_8, %dma_start3A] : memref<32x100xi32, #tpu.memory_space<vmem>> -> memref<1x100xi32, #tpu.memory_space<vmem>>
      %dma_start3A_10 = tpu.memref_squeeze %dma_start3A_9 : memref<1x100xi32, #tpu.memory_space<vmem>> -> memref<100xi32, #tpu.memory_space<vmem>>
      %dma_start3A_11 = arith.constant 0 : i32
      %dma_start3A_12 = arith.constant 0 : i32
      %dma_start3A_13 = tpu.memref_slice %arg3[%dma_start3A_11, %dma_start3A_12] : memref<200000x128xf32, #tpu.memory_space<hbm>> -> memref<200000x128xf32, #tpu.memory_space<hbm>>
      tpu.enqueue_indirect_dma source(%dma_start3A_13 : memref<200000x128xf32, #tpu.memory_space<hbm>>) target(%arg6 : memref<100x128xf32, #tpu.memory_space<vmem>>) offsets(%dma_start3A_10 : memref<100xi32, #tpu.memory_space<vmem>>) semaphore(%arg8 : memref<!tpu.dma_semaphore, #tpu.memory_space<semaphore_mem>>)
      %dma_wait3A = arith.constant 0 : i32
      %dma_wait3A_14 = tpu.memref_slice %arg5[%scan3A_8, %dma_wait3A] : memref<32x100xi32, #tpu.memory_space<vmem>> -> memref<1x100xi32, #tpu.memory_space<vmem>>
      %dma_wait3A_15 = tpu.memref_squeeze %dma_wait3A_14 : memref<1x100xi32, #tpu.memory_space<vmem>> -> memref<100xi32, #tpu.memory_space<vmem>>
      %dma_wait3A_16 = arith.constant 0 : i32
      %dma_wait3A_17 = arith.constant 0 : i32
      %dma_wait3A_18 = tpu.memref_slice %arg3[%dma_wait3A_16, %dma_wait3A_17] : memref<200000x128xf32, #tpu.memory_space<hbm>> -> memref<200000x128xf32, #tpu.memory_space<hbm>>
      tpu.wait_indirect_dma semaphore(%arg8 : memref<!tpu.dma_semaphore, #tpu.memory_space<semaphore_mem>>) src(%dma_wait3A_18 : memref<200000x128xf32, #tpu.memory_space<hbm>>) dst(%arg6 : memref<100x128xf32, #tpu.memory_space<vmem>>)
      %broadcast_in_dim3A = arith.constant 0.000000e+00 : f32
      %broadcast_in_dim3A_19 = vector.broadcast %broadcast_in_dim3A : f32 to vector<16xf32>
      %scan3A_20 = arith.constant 0 : i32
      %scan3A_21 = arith.constant 50 : i32
      %scan3A_22 = arith.addi %scan3A_20, %scan3A_21 : i32
      %scan3A_23 = arith.constant 1 : i32
      %scan3A_24 = scf.for %scan3A_290 = %scan3A_20 to %scan3A_22 step %scan3A_23 iter_args(%scan3A_291 = %broadcast_in_dim3A_19) -> (vector<16xf32>)  : i32 {
        %mul3A_292 = arith.constant 2 : i32
        %mul3A_293 = arith.muli %mul3A_292, %scan3A_290 : i32
        %get3A = arith.index_cast %mul3A_293 : i32 to index
        %get3A_294 = arith.constant 0 : index
        %get3A_295 = tpu.vector_load %arg6[%get3A, %get3A_294] {strides = array<i32>} : memref<100x128xf32, #tpu.memory_space<vmem>>, vector<1x16xf32>,
        %get3A_296 = vector.shape_cast %get3A_295 : vector<1x16xf32> to vector<16xf32>
        %add3A_297 = arith.addf %scan3A_291, %get3A_296 : vector<16xf32>
        scf.yield %add3A_297 : vector<16xf32>
      }
      %scan3A_25 = arith.constant 50 : i32
      %broadcast_in_dim3A_26 = arith.constant 0.000000e+00 : f32
      %broadcast_in_dim3A_27 = vector.broadcast %broadcast_in_dim3A_26 : f32 to vector<16xf32>
      %scan3A_28 = arith.constant 0 : i32
      %scan3A_29 = arith.constant 50 : i32
      %scan3A_30 = arith.addi %scan3A_28, %scan3A_29 : i32
      %scan3A_31 = arith.constant 1 : i32
      %scan3A_32 = scf.for %scan3A_290 = %scan3A_28 to %scan3A_30 step %scan3A_31 iter_args(%scan3A_291 = %broadcast_in_dim3A_27) -> (vector<16xf32>)  : i32 {
        %mul3A_292 = arith.constant 2 : i32
        %mul3A_293 = arith.muli %mul3A_292, %scan3A_290 : i32
        %add3A_294 = arith.constant 1 : i32
        %add3A_295 = arith.addi %mul3A_293, %add3A_294 : i32
        %get3A = arith.index_cast %add3A_295 : i32 to index
        %get3A_296 = arith.constant 0 : index
        %get3A_297 = tpu.vector_load %arg6[%get3A, %get3A_296] {strides = array<i32>} : memref<100x128xf32, #tpu.memory_space<vmem>>, vector<1x16xf32>,
        %get3A_298 = vector.shape_cast %get3A_297 : vector<1x16xf32> to vector<16xf32>
        %add3A_299 = arith.addf %scan3A_291, %get3A_298 : vector<16xf32>
        scf.yield %add3A_299 : vector<16xf32>
      }
      %scan3A_33 = arith.constant 50 : i32
      %mul3A_34 = arith.constant 2.000000e-02 : f32
      %mul3A_35 = vector.broadcast %mul3A_34 : f32 to vector<16xf32>
      %mul3A_36 = arith.mulf %scan3A_24, %mul3A_35 : vector<16xf32>
      %swap3A = arith.constant 0 : i32
      %swap3A_37 = arith.index_cast %swap3A : i32 to index
      %swap3A_38 = arith.constant 0 : index
      %swap3A_39 = tpu.vector_load %arg7[%swap3A_37, %swap3A_38] {strides = array<i32>} : memref<1x256xf32, #tpu.memory_space<vmem>>, vector<1x16xf32>,
      %swap3A_40 = vector.shape_cast %swap3A_39 : vector<1x16xf32> to vector<16xf32>
      %swap3A_41 = vector.shape_cast %mul3A_36 : vector<16xf32> to vector<1x16xf32>
      tpu.vector_store %arg7[%swap3A_37, %swap3A_38], %swap3A_41 {strides = array<i32>} : memref<1x256xf32, #tpu.memory_space<vmem>>, vector<1x16xf32>,
      %mul3A_42 = arith.constant 2.000000e-02 : f32
      %mul3A_43 = vector.broadcast %mul3A_42 : f32 to vector<16xf32>
      %mul3A_44 = arith.mulf %scan3A_32, %mul3A_43 : vector<16xf32>
      %swap3A_45 = arith.constant 0 : i32
      %swap3A_46 = arith.index_cast %swap3A_45 : i32 to index
      %swap3A_47 = arith.constant 128 : index
      %swap3A_48 = tpu.vector_load %arg7[%swap3A_46, %swap3A_47] {strides = array<i32>} : memref<1x256xf32, #tpu.memory_space<vmem>>, vector<1x16xf32>,
      %swap3A_49 = vector.shape_cast %swap3A_48 : vector<1x16xf32> to vector<16xf32>
      %swap3A_50 = vector.shape_cast %mul3A_44 : vector<16xf32> to vector<1x16xf32>
      tpu.vector_store %arg7[%swap3A_46, %swap3A_47], %swap3A_50 {strides = array<i32>} : memref<1x256xf32, #tpu.memory_space<vmem>>, vector<1x16xf32>,
      %broadcast_in_dim3A_51 = arith.constant 0.000000e+00 : f32
      %broadcast_in_dim3A_52 = vector.broadcast %broadcast_in_dim3A_51 : f32 to vector<16xf32>
      %scan3A_53 = arith.constant 0 : i32
      %scan3A_54 = arith.constant 50 : i32
      %scan3A_55 = arith.addi %scan3A_53, %scan3A_54 : i32
      %scan3A_56 = arith.constant 1 : i32
      %scan3A_57 = scf.for %scan3A_290 = %scan3A_53 to %scan3A_55 step %scan3A_56 iter_args(%scan3A_291 = %broadcast_in_dim3A_52) -> (vector<16xf32>)  : i32 {
        %mul3A_292 = arith.constant 2 : i32
        %mul3A_293 = arith.muli %mul3A_292, %scan3A_290 : i32
        %get3A = arith.index_cast %mul3A_293 : i32 to index
        %get3A_294 = arith.constant 16 : index
        %get3A_295 = tpu.vector_load %arg6[%get3A, %get3A_294] {strides = array<i32>} : memref<100x128xf32, #tpu.memory_space<vmem>>, vector<1x16xf32>,
        %get3A_296 = vector.shape_cast %get3A_295 : vector<1x16xf32> to vector<16xf32>
        %add3A_297 = arith.addf %scan3A_291, %get3A_296 : vector<16xf32>
        scf.yield %add3A_297 : vector<16xf32>
      }
      %scan3A_58 = arith.constant 50 : i32
      %broadcast_in_dim3A_59 = arith.constant 0.000000e+00 : f32
      %broadcast_in_dim3A_60 = vector.broadcast %broadcast_in_dim3A_59 : f32 to vector<16xf32>
      %scan3A_61 = arith.constant 0 : i32
      %scan3A_62 = arith.constant 50 : i32
      %scan3A_63 = arith.addi %scan3A_61, %scan3A_62 : i32
      %scan3A_64 = arith.constant 1 : i32
      %scan3A_65 = scf.for %scan3A_290 = %scan3A_61 to %scan3A_63 step %scan3A_64 iter_args(%scan3A_291 = %broadcast_in_dim3A_60) -> (vector<16xf32>)  : i32 {
        %mul3A_292 = arith.constant 2 : i32
        %mul3A_293 = arith.muli %mul3A_292, %scan3A_290 : i32
        %add3A_294 = arith.constant 1 : i32
        %add3A_295 = arith.addi %mul3A_293, %add3A_294 : i32
        %get3A = arith.index_cast %add3A_295 : i32 to index
        %get3A_296 = arith.constant 16 : index
        %get3A_297 = tpu.vector_load %arg6[%get3A, %get3A_296] {strides = array<i32>} : memref<100x128xf32, #tpu.memory_space<vmem>>, vector<1x16xf32>,
        %get3A_298 = vector.shape_cast %get3A_297 : vector<1x16xf32> to vector<16xf32>
        %add3A_299 = arith.addf %scan3A_291, %get3A_298 : vector<16xf32>
        scf.yield %add3A_299 : vector<16xf32>
      }
      %scan3A_66 = arith.constant 50 : i32
      %mul3A_67 = arith.constant 2.000000e-02 : f32
      %mul3A_68 = vector.broadcast %mul3A_67 : f32 to vector<16xf32>
      %mul3A_69 = arith.mulf %scan3A_57, %mul3A_68 : vector<16xf32>
      %swap3A_70 = arith.constant 0 : i32
      %swap3A_71 = arith.index_cast %swap3A_70 : i32 to index
      %swap3A_72 = arith.constant 16 : index
      %swap3A_73 = tpu.vector_load %arg7[%swap3A_71, %swap3A_72] {strides = array<i32>} : memref<1x256xf32, #tpu.memory_space<vmem>>, vector<1x16xf32>,
      %swap3A_74 = vector.shape_cast %swap3A_73 : vector<1x16xf32> to vector<16xf32>
      %swap3A_75 = vector.shape_cast %mul3A_69 : vector<16xf32> to vector<1x16xf32>
      tpu.vector_store %arg7[%swap3A_71, %swap3A_72], %swap3A_75 {strides = array<i32>} : memref<1x256xf32, #tpu.memory_space<vmem>>, vector<1x16xf32>,
      %mul3A_76 = arith.constant 2.000000e-02 : f32
      %mul3A_77 = vector.broadcast %mul3A_76 : f32 to vector<16xf32>
      %mul3A_78 = arith.mulf %scan3A_65, %mul3A_77 : vector<16xf32>
      %swap3A_79 = arith.constant 0 : i32
      %swap3A_80 = arith.index_cast %swap3A_79 : i32 to index
      %swap3A_81 = arith.constant 144 : index
      %swap3A_82 = tpu.vector_load %arg7[%swap3A_80, %swap3A_81] {strides = array<i32>} : memref<1x256xf32, #tpu.memory_space<vmem>>, vector<1x16xf32>,
      %swap3A_83 = vector.shape_cast %swap3A_82 : vector<1x16xf32> to vector<16xf32>
      %swap3A_84 = vector.shape_cast %mul3A_78 : vector<16xf32> to vector<1x16xf32>
      tpu.vector_store %arg7[%swap3A_80, %swap3A_81], %swap3A_84 {strides = array<i32>} : memref<1x256xf32, #tpu.memory_space<vmem>>, vector<1x16xf32>,
      %broadcast_in_dim3A_85 = arith.constant 0.000000e+00 : f32
      %broadcast_in_dim3A_86 = vector.broadcast %broadcast_in_dim3A_85 : f32 to vector<16xf32>
      %scan3A_87 = arith.constant 0 : i32
      %scan3A_88 = arith.constant 50 : i32
      %scan3A_89 = arith.addi %scan3A_87, %scan3A_88 : i32
      %scan3A_90 = arith.constant 1 : i32
      %scan3A_91 = scf.for %scan3A_290 = %scan3A_87 to %scan3A_89 step %scan3A_90 iter_args(%scan3A_291 = %broadcast_in_dim3A_86) -> (vector<16xf32>)  : i32 {
        %mul3A_292 = arith.constant 2 : i32
        %mul3A_293 = arith.muli %mul3A_292, %scan3A_290 : i32
        %get3A = arith.index_cast %mul3A_293 : i32 to index
        %get3A_294 = arith.constant 32 : index
        %get3A_295 = tpu.vector_load %arg6[%get3A, %get3A_294] {strides = array<i32>} : memref<100x128xf32, #tpu.memory_space<vmem>>, vector<1x16xf32>,
        %get3A_296 = vector.shape_cast %get3A_295 : vector<1x16xf32> to vector<16xf32>
        %add3A_297 = arith.addf %scan3A_291, %get3A_296 : vector<16xf32>
        scf.yield %add3A_297 : vector<16xf32>
      }
      %scan3A_92 = arith.constant 50 : i32
      %broadcast_in_dim3A_93 = arith.constant 0.000000e+00 : f32
      %broadcast_in_dim3A_94 = vector.broadcast %broadcast_in_dim3A_93 : f32 to vector<16xf32>
      %scan3A_95 = arith.constant 0 : i32
      %scan3A_96 = arith.constant 50 : i32
      %scan3A_97 = arith.addi %scan3A_95, %scan3A_96 : i32
      %scan3A_98 = arith.constant 1 : i32
      %scan3A_99 = scf.for %scan3A_290 = %scan3A_95 to %scan3A_97 step %scan3A_98 iter_args(%scan3A_291 = %broadcast_in_dim3A_94) -> (vector<16xf32>)  : i32 {
        %mul3A_292 = arith.constant 2 : i32
        %mul3A_293 = arith.muli %mul3A_292, %scan3A_290 : i32
        %add3A_294 = arith.constant 1 : i32
        %add3A_295 = arith.addi %mul3A_293, %add3A_294 : i32
        %get3A = arith.index_cast %add3A_295 : i32 to index
        %get3A_296 = arith.constant 32 : index
        %get3A_297 = tpu.vector_load %arg6[%get3A, %get3A_296] {strides = array<i32>} : memref<100x128xf32, #tpu.memory_space<vmem>>, vector<1x16xf32>,
        %get3A_298 = vector.shape_cast %get3A_297 : vector<1x16xf32> to vector<16xf32>
        %add3A_299 = arith.addf %scan3A_291, %get3A_298 : vector<16xf32>
        scf.yield %add3A_299 : vector<16xf32>
      }
      %scan3A_100 = arith.constant 50 : i32
      %mul3A_101 = arith.constant 2.000000e-02 : f32
      %mul3A_102 = vector.broadcast %mul3A_101 : f32 to vector<16xf32>
      %mul3A_103 = arith.mulf %scan3A_91, %mul3A_102 : vector<16xf32>
      %swap3A_104 = arith.constant 0 : i32
      %swap3A_105 = arith.index_cast %swap3A_104 : i32 to index
      %swap3A_106 = arith.constant 32 : index
      %swap3A_107 = tpu.vector_load %arg7[%swap3A_105, %swap3A_106] {strides = array<i32>} : memref<1x256xf32, #tpu.memory_space<vmem>>, vector<1x16xf32>,
      %swap3A_108 = vector.shape_cast %swap3A_107 : vector<1x16xf32> to vector<16xf32>
      %swap3A_109 = vector.shape_cast %mul3A_103 : vector<16xf32> to vector<1x16xf32>
      tpu.vector_store %arg7[%swap3A_105, %swap3A_106], %swap3A_109 {strides = array<i32>} : memref<1x256xf32, #tpu.memory_space<vmem>>, vector<1x16xf32>,
      %mul3A_110 = arith.constant 2.000000e-02 : f32
      %mul3A_111 = vector.broadcast %mul3A_110 : f32 to vector<16xf32>
      %mul3A_112 = arith.mulf %scan3A_99, %mul3A_111 : vector<16xf32>
      %swap3A_113 = arith.constant 0 : i32
      %swap3A_114 = arith.index_cast %swap3A_113 : i32 to index
      %swap3A_115 = arith.constant 160 : index
      %swap3A_116 = tpu.vector_load %arg7[%swap3A_114, %swap3A_115] {strides = array<i32>} : memref<1x256xf32, #tpu.memory_space<vmem>>, vector<1x16xf32>,
      %swap3A_117 = vector.shape_cast %swap3A_116 : vector<1x16xf32> to vector<16xf32>
      %swap3A_118 = vector.shape_cast %mul3A_112 : vector<16xf32> to vector<1x16xf32>
      tpu.vector_store %arg7[%swap3A_114, %swap3A_115], %swap3A_118 {strides = array<i32>} : memref<1x256xf32, #tpu.memory_space<vmem>>, vector<1x16xf32>,
      %broadcast_in_dim3A_119 = arith.constant 0.000000e+00 : f32
      %broadcast_in_dim3A_120 = vector.broadcast %broadcast_in_dim3A_119 : f32 to vector<16xf32>
      %scan3A_121 = arith.constant 0 : i32
      %scan3A_122 = arith.constant 50 : i32
      %scan3A_123 = arith.addi %scan3A_121, %scan3A_122 : i32
      %scan3A_124 = arith.constant 1 : i32
      %scan3A_125 = scf.for %scan3A_290 = %scan3A_121 to %scan3A_123 step %scan3A_124 iter_args(%scan3A_291 = %broadcast_in_dim3A_120) -> (vector<16xf32>)  : i32 {
        %mul3A_292 = arith.constant 2 : i32
        %mul3A_293 = arith.muli %mul3A_292, %scan3A_290 : i32
        %get3A = arith.index_cast %mul3A_293 : i32 to index
        %get3A_294 = arith.constant 48 : index
        %get3A_295 = tpu.vector_load %arg6[%get3A, %get3A_294] {strides = array<i32>} : memref<100x128xf32, #tpu.memory_space<vmem>>, vector<1x16xf32>,
        %get3A_296 = vector.shape_cast %get3A_295 : vector<1x16xf32> to vector<16xf32>
        %add3A_297 = arith.addf %scan3A_291, %get3A_296 : vector<16xf32>
        scf.yield %add3A_297 : vector<16xf32>
      }
      %scan3A_126 = arith.constant 50 : i32
      %broadcast_in_dim3A_127 = arith.constant 0.000000e+00 : f32
      %broadcast_in_dim3A_128 = vector.broadcast %broadcast_in_dim3A_127 : f32 to vector<16xf32>
      %scan3A_129 = arith.constant 0 : i32
      %scan3A_130 = arith.constant 50 : i32
      %scan3A_131 = arith.addi %scan3A_129, %scan3A_130 : i32
      %scan3A_132 = arith.constant 1 : i32
      %scan3A_133 = scf.for %scan3A_290 = %scan3A_129 to %scan3A_131 step %scan3A_132 iter_args(%scan3A_291 = %broadcast_in_dim3A_128) -> (vector<16xf32>)  : i32 {
        %mul3A_292 = arith.constant 2 : i32
        %mul3A_293 = arith.muli %mul3A_292, %scan3A_290 : i32
        %add3A_294 = arith.constant 1 : i32
        %add3A_295 = arith.addi %mul3A_293, %add3A_294 : i32
        %get3A = arith.index_cast %add3A_295 : i32 to index
        %get3A_296 = arith.constant 48 : index
        %get3A_297 = tpu.vector_load %arg6[%get3A, %get3A_296] {strides = array<i32>} : memref<100x128xf32, #tpu.memory_space<vmem>>, vector<1x16xf32>,
        %get3A_298 = vector.shape_cast %get3A_297 : vector<1x16xf32> to vector<16xf32>
        %add3A_299 = arith.addf %scan3A_291, %get3A_298 : vector<16xf32>
        scf.yield %add3A_299 : vector<16xf32>
      }
      %scan3A_134 = arith.constant 50 : i32
      %mul3A_135 = arith.constant 2.000000e-02 : f32
      %mul3A_136 = vector.broadcast %mul3A_135 : f32 to vector<16xf32>
      %mul3A_137 = arith.mulf %scan3A_125, %mul3A_136 : vector<16xf32>
      %swap3A_138 = arith.constant 0 : i32
      %swap3A_139 = arith.index_cast %swap3A_138 : i32 to index
      %swap3A_140 = arith.constant 48 : index
      %swap3A_141 = tpu.vector_load %arg7[%swap3A_139, %swap3A_140] {strides = array<i32>} : memref<1x256xf32, #tpu.memory_space<vmem>>, vector<1x16xf32>,
      %swap3A_142 = vector.shape_cast %swap3A_141 : vector<1x16xf32> to vector<16xf32>
      %swap3A_143 = vector.shape_cast %mul3A_137 : vector<16xf32> to vector<1x16xf32>
      tpu.vector_store %arg7[%swap3A_139, %swap3A_140], %swap3A_143 {strides = array<i32>} : memref<1x256xf32, #tpu.memory_space<vmem>>, vector<1x16xf32>,
      %mul3A_144 = arith.constant 2.000000e-02 : f32
      %mul3A_145 = vector.broadcast %mul3A_144 : f32 to vector<16xf32>
      %mul3A_146 = arith.mulf %scan3A_133, %mul3A_145 : vector<16xf32>
      %swap3A_147 = arith.constant 0 : i32
      %swap3A_148 = arith.index_cast %swap3A_147 : i32 to index
      %swap3A_149 = arith.constant 176 : index
      %swap3A_150 = tpu.vector_load %arg7[%swap3A_148, %swap3A_149] {strides = array<i32>} : memref<1x256xf32, #tpu.memory_space<vmem>>, vector<1x16xf32>,
      %swap3A_151 = vector.shape_cast %swap3A_150 : vector<1x16xf32> to vector<16xf32>
      %swap3A_152 = vector.shape_cast %mul3A_146 : vector<16xf32> to vector<1x16xf32>
      tpu.vector_store %arg7[%swap3A_148, %swap3A_149], %swap3A_152 {strides = array<i32>} : memref<1x256xf32, #tpu.memory_space<vmem>>, vector<1x16xf32>,
      %broadcast_in_dim3A_153 = arith.constant 0.000000e+00 : f32
      %broadcast_in_dim3A_154 = vector.broadcast %broadcast_in_dim3A_153 : f32 to vector<16xf32>
      %scan3A_155 = arith.constant 0 : i32
      %scan3A_156 = arith.constant 50 : i32
      %scan3A_157 = arith.addi %scan3A_155, %scan3A_156 : i32
      %scan3A_158 = arith.constant 1 : i32
      %scan3A_159 = scf.for %scan3A_290 = %scan3A_155 to %scan3A_157 step %scan3A_158 iter_args(%scan3A_291 = %broadcast_in_dim3A_154) -> (vector<16xf32>)  : i32 {
        %mul3A_292 = arith.constant 2 : i32
        %mul3A_293 = arith.muli %mul3A_292, %scan3A_290 : i32
        %get3A = arith.index_cast %mul3A_293 : i32 to index
        %get3A_294 = arith.constant 64 : index
        %get3A_295 = tpu.vector_load %arg6[%get3A, %get3A_294] {strides = array<i32>} : memref<100x128xf32, #tpu.memory_space<vmem>>, vector<1x16xf32>,
        %get3A_296 = vector.shape_cast %get3A_295 : vector<1x16xf32> to vector<16xf32>
        %add3A_297 = arith.addf %scan3A_291, %get3A_296 : vector<16xf32>
        scf.yield %add3A_297 : vector<16xf32>
      }
      %scan3A_160 = arith.constant 50 : i32
      %broadcast_in_dim3A_161 = arith.constant 0.000000e+00 : f32
      %broadcast_in_dim3A_162 = vector.broadcast %broadcast_in_dim3A_161 : f32 to vector<16xf32>
      %scan3A_163 = arith.constant 0 : i32
      %scan3A_164 = arith.constant 50 : i32
      %scan3A_165 = arith.addi %scan3A_163, %scan3A_164 : i32
      %scan3A_166 = arith.constant 1 : i32
      %scan3A_167 = scf.for %scan3A_290 = %scan3A_163 to %scan3A_165 step %scan3A_166 iter_args(%scan3A_291 = %broadcast_in_dim3A_162) -> (vector<16xf32>)  : i32 {
        %mul3A_292 = arith.constant 2 : i32
        %mul3A_293 = arith.muli %mul3A_292, %scan3A_290 : i32
        %add3A_294 = arith.constant 1 : i32
        %add3A_295 = arith.addi %mul3A_293, %add3A_294 : i32
        %get3A = arith.index_cast %add3A_295 : i32 to index
        %get3A_296 = arith.constant 64 : index
        %get3A_297 = tpu.vector_load %arg6[%get3A, %get3A_296] {strides = array<i32>} : memref<100x128xf32, #tpu.memory_space<vmem>>, vector<1x16xf32>,
        %get3A_298 = vector.shape_cast %get3A_297 : vector<1x16xf32> to vector<16xf32>
        %add3A_299 = arith.addf %scan3A_291, %get3A_298 : vector<16xf32>
        scf.yield %add3A_299 : vector<16xf32>
      }
      %scan3A_168 = arith.constant 50 : i32
      %mul3A_169 = arith.constant 2.000000e-02 : f32
      %mul3A_170 = vector.broadcast %mul3A_169 : f32 to vector<16xf32>
      %mul3A_171 = arith.mulf %scan3A_159, %mul3A_170 : vector<16xf32>
      %swap3A_172 = arith.constant 0 : i32
      %swap3A_173 = arith.index_cast %swap3A_172 : i32 to index
      %swap3A_174 = arith.constant 64 : index
      %swap3A_175 = tpu.vector_load %arg7[%swap3A_173, %swap3A_174] {strides = array<i32>} : memref<1x256xf32, #tpu.memory_space<vmem>>, vector<1x16xf32>,
      %swap3A_176 = vector.shape_cast %swap3A_175 : vector<1x16xf32> to vector<16xf32>
      %swap3A_177 = vector.shape_cast %mul3A_171 : vector<16xf32> to vector<1x16xf32>
      tpu.vector_store %arg7[%swap3A_173, %swap3A_174], %swap3A_177 {strides = array<i32>} : memref<1x256xf32, #tpu.memory_space<vmem>>, vector<1x16xf32>,
      %mul3A_178 = arith.constant 2.000000e-02 : f32
      %mul3A_179 = vector.broadcast %mul3A_178 : f32 to vector<16xf32>
      %mul3A_180 = arith.mulf %scan3A_167, %mul3A_179 : vector<16xf32>
      %swap3A_181 = arith.constant 0 : i32
      %swap3A_182 = arith.index_cast %swap3A_181 : i32 to index
      %swap3A_183 = arith.constant 192 : index
      %swap3A_184 = tpu.vector_load %arg7[%swap3A_182, %swap3A_183] {strides = array<i32>} : memref<1x256xf32, #tpu.memory_space<vmem>>, vector<1x16xf32>,
      %swap3A_185 = vector.shape_cast %swap3A_184 : vector<1x16xf32> to vector<16xf32>
      %swap3A_186 = vector.shape_cast %mul3A_180 : vector<16xf32> to vector<1x16xf32>
      tpu.vector_store %arg7[%swap3A_182, %swap3A_183], %swap3A_186 {strides = array<i32>} : memref<1x256xf32, #tpu.memory_space<vmem>>, vector<1x16xf32>,
      %broadcast_in_dim3A_187 = arith.constant 0.000000e+00 : f32
      %broadcast_in_dim3A_188 = vector.broadcast %broadcast_in_dim3A_187 : f32 to vector<16xf32>
      %scan3A_189 = arith.constant 0 : i32
      %scan3A_190 = arith.constant 50 : i32
      %scan3A_191 = arith.addi %scan3A_189, %scan3A_190 : i32
      %scan3A_192 = arith.constant 1 : i32
      %scan3A_193 = scf.for %scan3A_290 = %scan3A_189 to %scan3A_191 step %scan3A_192 iter_args(%scan3A_291 = %broadcast_in_dim3A_188) -> (vector<16xf32>)  : i32 {
        %mul3A_292 = arith.constant 2 : i32
        %mul3A_293 = arith.muli %mul3A_292, %scan3A_290 : i32
        %get3A = arith.index_cast %mul3A_293 : i32 to index
        %get3A_294 = arith.constant 80 : index
        %get3A_295 = tpu.vector_load %arg6[%get3A, %get3A_294] {strides = array<i32>} : memref<100x128xf32, #tpu.memory_space<vmem>>, vector<1x16xf32>,
        %get3A_296 = vector.shape_cast %get3A_295 : vector<1x16xf32> to vector<16xf32>
        %add3A_297 = arith.addf %scan3A_291, %get3A_296 : vector<16xf32>
        scf.yield %add3A_297 : vector<16xf32>
      }
      %scan3A_194 = arith.constant 50 : i32
      %broadcast_in_dim3A_195 = arith.constant 0.000000e+00 : f32
      %broadcast_in_dim3A_196 = vector.broadcast %broadcast_in_dim3A_195 : f32 to vector<16xf32>
      %scan3A_197 = arith.constant 0 : i32
      %scan3A_198 = arith.constant 50 : i32
      %scan3A_199 = arith.addi %scan3A_197, %scan3A_198 : i32
      %scan3A_200 = arith.constant 1 : i32
      %scan3A_201 = scf.for %scan3A_290 = %scan3A_197 to %scan3A_199 step %scan3A_200 iter_args(%scan3A_291 = %broadcast_in_dim3A_196) -> (vector<16xf32>)  : i32 {
        %mul3A_292 = arith.constant 2 : i32
        %mul3A_293 = arith.muli %mul3A_292, %scan3A_290 : i32
        %add3A_294 = arith.constant 1 : i32
        %add3A_295 = arith.addi %mul3A_293, %add3A_294 : i32
        %get3A = arith.index_cast %add3A_295 : i32 to index
        %get3A_296 = arith.constant 80 : index
        %get3A_297 = tpu.vector_load %arg6[%get3A, %get3A_296] {strides = array<i32>} : memref<100x128xf32, #tpu.memory_space<vmem>>, vector<1x16xf32>,
        %get3A_298 = vector.shape_cast %get3A_297 : vector<1x16xf32> to vector<16xf32>
        %add3A_299 = arith.addf %scan3A_291, %get3A_298 : vector<16xf32>
        scf.yield %add3A_299 : vector<16xf32>
      }
      %scan3A_202 = arith.constant 50 : i32
      %mul3A_203 = arith.constant 2.000000e-02 : f32
      %mul3A_204 = vector.broadcast %mul3A_203 : f32 to vector<16xf32>
      %mul3A_205 = arith.mulf %scan3A_193, %mul3A_204 : vector<16xf32>
      %swap3A_206 = arith.constant 0 : i32
      %swap3A_207 = arith.index_cast %swap3A_206 : i32 to index
      %swap3A_208 = arith.constant 80 : index
      %swap3A_209 = tpu.vector_load %arg7[%swap3A_207, %swap3A_208] {strides = array<i32>} : memref<1x256xf32, #tpu.memory_space<vmem>>, vector<1x16xf32>,
      %swap3A_210 = vector.shape_cast %swap3A_209 : vector<1x16xf32> to vector<16xf32>
      %swap3A_211 = vector.shape_cast %mul3A_205 : vector<16xf32> to vector<1x16xf32>
      tpu.vector_store %arg7[%swap3A_207, %swap3A_208], %swap3A_211 {strides = array<i32>} : memref<1x256xf32, #tpu.memory_space<vmem>>, vector<1x16xf32>,
      %mul3A_212 = arith.constant 2.000000e-02 : f32
      %mul3A_213 = vector.broadcast %mul3A_212 : f32 to vector<16xf32>
      %mul3A_214 = arith.mulf %scan3A_201, %mul3A_213 : vector<16xf32>
      %swap3A_215 = arith.constant 0 : i32
      %swap3A_216 = arith.index_cast %swap3A_215 : i32 to index
      %swap3A_217 = arith.constant 208 : index
      %swap3A_218 = tpu.vector_load %arg7[%swap3A_216, %swap3A_217] {strides = array<i32>} : memref<1x256xf32, #tpu.memory_space<vmem>>, vector<1x16xf32>,
      %swap3A_219 = vector.shape_cast %swap3A_218 : vector<1x16xf32> to vector<16xf32>
      %swap3A_220 = vector.shape_cast %mul3A_214 : vector<16xf32> to vector<1x16xf32>
      tpu.vector_store %arg7[%swap3A_216, %swap3A_217], %swap3A_220 {strides = array<i32>} : memref<1x256xf32, #tpu.memory_space<vmem>>, vector<1x16xf32>,
      %broadcast_in_dim3A_221 = arith.constant 0.000000e+00 : f32
      %broadcast_in_dim3A_222 = vector.broadcast %broadcast_in_dim3A_221 : f32 to vector<16xf32>
      %scan3A_223 = arith.constant 0 : i32
      %scan3A_224 = arith.constant 50 : i32
      %scan3A_225 = arith.addi %scan3A_223, %scan3A_224 : i32
      %scan3A_226 = arith.constant 1 : i32
      %scan3A_227 = scf.for %scan3A_290 = %scan3A_223 to %scan3A_225 step %scan3A_226 iter_args(%scan3A_291 = %broadcast_in_dim3A_222) -> (vector<16xf32>)  : i32 {
        %mul3A_292 = arith.constant 2 : i32
        %mul3A_293 = arith.muli %mul3A_292, %scan3A_290 : i32
        %get3A = arith.index_cast %mul3A_293 : i32 to index
        %get3A_294 = arith.constant 96 : index
        %get3A_295 = tpu.vector_load %arg6[%get3A, %get3A_294] {strides = array<i32>} : memref<100x128xf32, #tpu.memory_space<vmem>>, vector<1x16xf32>,
        %get3A_296 = vector.shape_cast %get3A_295 : vector<1x16xf32> to vector<16xf32>
        %add3A_297 = arith.addf %scan3A_291, %get3A_296 : vector<16xf32>
        scf.yield %add3A_297 : vector<16xf32>
      }
      %scan3A_228 = arith.constant 50 : i32
      %broadcast_in_dim3A_229 = arith.constant 0.000000e+00 : f32
      %broadcast_in_dim3A_230 = vector.broadcast %broadcast_in_dim3A_229 : f32 to vector<16xf32>
      %scan3A_231 = arith.constant 0 : i32
      %scan3A_232 = arith.constant 50 : i32
      %scan3A_233 = arith.addi %scan3A_231, %scan3A_232 : i32
      %scan3A_234 = arith.constant 1 : i32
      %scan3A_235 = scf.for %scan3A_290 = %scan3A_231 to %scan3A_233 step %scan3A_234 iter_args(%scan3A_291 = %broadcast_in_dim3A_230) -> (vector<16xf32>)  : i32 {
        %mul3A_292 = arith.constant 2 : i32
        %mul3A_293 = arith.muli %mul3A_292, %scan3A_290 : i32
        %add3A_294 = arith.constant 1 : i32
        %add3A_295 = arith.addi %mul3A_293, %add3A_294 : i32
        %get3A = arith.index_cast %add3A_295 : i32 to index
        %get3A_296 = arith.constant 96 : index
        %get3A_297 = tpu.vector_load %arg6[%get3A, %get3A_296] {strides = array<i32>} : memref<100x128xf32, #tpu.memory_space<vmem>>, vector<1x16xf32>,
        %get3A_298 = vector.shape_cast %get3A_297 : vector<1x16xf32> to vector<16xf32>
        %add3A_299 = arith.addf %scan3A_291, %get3A_298 : vector<16xf32>
        scf.yield %add3A_299 : vector<16xf32>
      }
      %scan3A_236 = arith.constant 50 : i32
      %mul3A_237 = arith.constant 2.000000e-02 : f32
      %mul3A_238 = vector.broadcast %mul3A_237 : f32 to vector<16xf32>
      %mul3A_239 = arith.mulf %scan3A_227, %mul3A_238 : vector<16xf32>
      %swap3A_240 = arith.constant 0 : i32
      %swap3A_241 = arith.index_cast %swap3A_240 : i32 to index
      %swap3A_242 = arith.constant 96 : index
      %swap3A_243 = tpu.vector_load %arg7[%swap3A_241, %swap3A_242] {strides = array<i32>} : memref<1x256xf32, #tpu.memory_space<vmem>>, vector<1x16xf32>,
      %swap3A_244 = vector.shape_cast %swap3A_243 : vector<1x16xf32> to vector<16xf32>
      %swap3A_245 = vector.shape_cast %mul3A_239 : vector<16xf32> to vector<1x16xf32>
      tpu.vector_store %arg7[%swap3A_241, %swap3A_242], %swap3A_245 {strides = array<i32>} : memref<1x256xf32, #tpu.memory_space<vmem>>, vector<1x16xf32>,
      %mul3A_246 = arith.constant 2.000000e-02 : f32
      %mul3A_247 = vector.broadcast %mul3A_246 : f32 to vector<16xf32>
      %mul3A_248 = arith.mulf %scan3A_235, %mul3A_247 : vector<16xf32>
      %swap3A_249 = arith.constant 0 : i32
      %swap3A_250 = arith.index_cast %swap3A_249 : i32 to index
      %swap3A_251 = arith.constant 224 : index
      %swap3A_252 = tpu.vector_load %arg7[%swap3A_250, %swap3A_251] {strides = array<i32>} : memref<1x256xf32, #tpu.memory_space<vmem>>, vector<1x16xf32>,
      %swap3A_253 = vector.shape_cast %swap3A_252 : vector<1x16xf32> to vector<16xf32>
      %swap3A_254 = vector.shape_cast %mul3A_248 : vector<16xf32> to vector<1x16xf32>
      tpu.vector_store %arg7[%swap3A_250, %swap3A_251], %swap3A_254 {strides = array<i32>} : memref<1x256xf32, #tpu.memory_space<vmem>>, vector<1x16xf32>,
      %broadcast_in_dim3A_255 = arith.constant 0.000000e+00 : f32
      %broadcast_in_dim3A_256 = vector.broadcast %broadcast_in_dim3A_255 : f32 to vector<16xf32>
      %scan3A_257 = arith.constant 0 : i32
      %scan3A_258 = arith.constant 50 : i32
      %scan3A_259 = arith.addi %scan3A_257, %scan3A_258 : i32
      %scan3A_260 = arith.constant 1 : i32
      %scan3A_261 = scf.for %scan3A_290 = %scan3A_257 to %scan3A_259 step %scan3A_260 iter_args(%scan3A_291 = %broadcast_in_dim3A_256) -> (vector<16xf32>)  : i32 {
        %mul3A_292 = arith.constant 2 : i32
        %mul3A_293 = arith.muli %mul3A_292, %scan3A_290 : i32
        %get3A = arith.index_cast %mul3A_293 : i32 to index
        %get3A_294 = arith.constant 112 : index
        %get3A_295 = tpu.vector_load %arg6[%get3A, %get3A_294] {strides = array<i32>} : memref<100x128xf32, #tpu.memory_space<vmem>>, vector<1x16xf32>,
        %get3A_296 = vector.shape_cast %get3A_295 : vector<1x16xf32> to vector<16xf32>
        %add3A_297 = arith.addf %scan3A_291, %get3A_296 : vector<16xf32>
        scf.yield %add3A_297 : vector<16xf32>
      }
      %scan3A_262 = arith.constant 50 : i32
      %broadcast_in_dim3A_263 = arith.constant 0.000000e+00 : f32
      %broadcast_in_dim3A_264 = vector.broadcast %broadcast_in_dim3A_263 : f32 to vector<16xf32>
      %scan3A_265 = arith.constant 0 : i32
      %scan3A_266 = arith.constant 50 : i32
      %scan3A_267 = arith.addi %scan3A_265, %scan3A_266 : i32
      %scan3A_268 = arith.constant 1 : i32
      %scan3A_269 = scf.for %scan3A_290 = %scan3A_265 to %scan3A_267 step %scan3A_268 iter_args(%scan3A_291 = %broadcast_in_dim3A_264) -> (vector<16xf32>)  : i32 {
        %mul3A_292 = arith.constant 2 : i32
        %mul3A_293 = arith.muli %mul3A_292, %scan3A_290 : i32
        %add3A_294 = arith.constant 1 : i32
        %add3A_295 = arith.addi %mul3A_293, %add3A_294 : i32
        %get3A = arith.index_cast %add3A_295 : i32 to index
        %get3A_296 = arith.constant 112 : index
        %get3A_297 = tpu.vector_load %arg6[%get3A, %get3A_296] {strides = array<i32>} : memref<100x128xf32, #tpu.memory_space<vmem>>, vector<1x16xf32>,
        %get3A_298 = vector.shape_cast %get3A_297 : vector<1x16xf32> to vector<16xf32>
        %add3A_299 = arith.addf %scan3A_291, %get3A_298 : vector<16xf32>
        scf.yield %add3A_299 : vector<16xf32>
      }
      %scan3A_270 = arith.constant 50 : i32
      %mul3A_271 = arith.constant 2.000000e-02 : f32
      %mul3A_272 = vector.broadcast %mul3A_271 : f32 to vector<16xf32>
      %mul3A_273 = arith.mulf %scan3A_261, %mul3A_272 : vector<16xf32>
      %swap3A_274 = arith.constant 0 : i32
      %swap3A_275 = arith.index_cast %swap3A_274 : i32 to index
      %swap3A_276 = arith.constant 112 : index
      %swap3A_277 = tpu.vector_load %arg7[%swap3A_275, %swap3A_276] {strides = array<i32>} : memref<1x256xf32, #tpu.memory_space<vmem>>, vector<1x16xf32>,
      %swap3A_278 = vector.shape_cast %swap3A_277 : vector<1x16xf32> to vector<16xf32>
      %swap3A_279 = vector.shape_cast %mul3A_273 : vector<16xf32> to vector<1x16xf32>
      tpu.vector_store %arg7[%swap3A_275, %swap3A_276], %swap3A_279 {strides = array<i32>} : memref<1x256xf32, #tpu.memory_space<vmem>>, vector<1x16xf32>,
      %mul3A_280 = arith.constant 2.000000e-02 : f32
      %mul3A_281 = vector.broadcast %mul3A_280 : f32 to vector<16xf32>
      %mul3A_282 = arith.mulf %scan3A_269, %mul3A_281 : vector<16xf32>
      %swap3A_283 = arith.constant 0 : i32
      %swap3A_284 = arith.index_cast %swap3A_283 : i32 to index
      %swap3A_285 = arith.constant 240 : index
      %swap3A_286 = tpu.vector_load %arg7[%swap3A_284, %swap3A_285] {strides = array<i32>} : memref<1x256xf32, #tpu.memory_space<vmem>>, vector<1x16xf32>,
      %swap3A_287 = vector.shape_cast %swap3A_286 : vector<1x16xf32> to vector<16xf32>
      %swap3A_288 = vector.shape_cast %mul3A_282 : vector<16xf32> to vector<1x16xf32>
      tpu.vector_store %arg7[%swap3A_284, %swap3A_285], %swap3A_288 {strides = array<i32>} : memref<1x256xf32, #tpu.memory_space<vmem>>, vector<1x16xf32>,
      %add3A_289 = arith.addi %mul3A_2, %scan3A_8 : i32
      "tpu.region"() ({
        %run_scoped3A = tpu.sem_alloc : memref<!tpu.dma_semaphore, #tpu.memory_space<semaphore_mem>>
        %dma_start3A_290 = arith.constant 0 : i32
        %dma_start3A_291 = tpu.memref_slice %arg4[%add3A_289, %dma_start3A_290] : memref<1024x256xf32, #tpu.memory_space<hbm>> -> memref<1x256xf32, #tpu.memory_space<hbm>>
        %dma_start3A_292 = arith.constant 0 : i32
        %dma_start3A_293 = tpu.memref_slice %arg4[%add3A_289, %dma_start3A_292] : memref<1024x256xf32, #tpu.memory_space<hbm>> -> memref<1x256xf32, #tpu.memory_space<hbm>>
        tpu.enqueue_dma source(%arg7 : memref<1x256xf32, #tpu.memory_space<vmem>>) target(%dma_start3A_293 : memref<1x256xf32, #tpu.memory_space<hbm>>) target_semaphore(%run_scoped3A : memref<!tpu.dma_semaphore, #tpu.memory_space<semaphore_mem>>)
        %dma_wait3A_294 = arith.constant 0 : i32
        %dma_wait3A_295 = tpu.memref_slice %arg4[%add3A_289, %dma_wait3A_294] : memref<1024x256xf32, #tpu.memory_space<hbm>> -> memref<1x256xf32, #tpu.memory_space<hbm>>
        %dma_wait3A_296 = arith.constant 0 : i32
        %dma_wait3A_297 = tpu.memref_slice %arg4[%add3A_289, %dma_wait3A_296] : memref<1024x256xf32, #tpu.memory_space<hbm>> -> memref<1x256xf32, #tpu.memory_space<hbm>>
        tpu.wait_dma2 semaphore(%run_scoped3A : memref<!tpu.dma_semaphore, #tpu.memory_space<semaphore_mem>>) src(%arg7 : memref<1x256xf32, #tpu.memory_space<vmem>>) dst(%dma_wait3A_297 : memref<1x256xf32, #tpu.memory_space<hbm>>)
        tpu.yield
      }) : () -> ()
    }
    %scan3A_7 = arith.constant 32 : i32
    return
  }
}

module attributes {stable_mosaic.version = 14 : i64} {
  func.func @_mm_body(%arg0: i32, %arg1: memref<1024x256xf32, #tpu.memory_space<vmem>>, %arg2: memref<2048x256xf32, #tpu.memory_space<vmem>>, %arg3: memref<1x2048xf32, #tpu.memory_space<vmem>>, %arg4: memref<1024x2048xf32, #tpu.memory_space<vmem>>) attributes {dimension_semantics = [#tpu.dimension_semantics<arbitrary>], iteration_bounds = array<i64: 49>, scalar_prefetch = 0 : i64, scratch_operands = 0 : i64, tpu.core_type = #tpu.core_type<tc>, window_params = [{pipeline_mode = #tpu.pipeline_mode<synchronous>, transform_indices = @transform_0, window_bounds = array<i64: 1024, 256>}, {transform_indices = @transform_1, window_bounds = array<i64: 2048, 256>}, {transform_indices = @transform_2, window_bounds = array<i64: 1, 2048>}, {transform_indices = @transform_3, window_bounds = array<i64: 1024, 2048>}]} {
    %get3A = arith.constant 0 : index
    %get3A_0 = arith.constant 0 : index
    %get3A_1 = vector.load %arg1[%get3A, %get3A_0] : memref<1024x256xf32, #tpu.memory_space<vmem>>, vector<1024x256xf32>
    %get3A_2 = arith.constant 0 : index
    %get3A_3 = arith.constant 0 : index
    %get3A_4 = vector.load %arg2[%get3A_2, %get3A_3] : memref<2048x256xf32, #tpu.memory_space<vmem>>, vector<2048x256xf32>
    %dot_general3A = arith.constant dense<0.000000e+00> : vector<1024x2048xf32>
    %dot_general3A_5 = tpu.matmul %get3A_1, %get3A_4, %dot_general3A {dimension_numbers = #tpu.dot_dimension_numbers<[1], [1], [0], [0], [0, 0, 1, 0], [], []>, transpose_lhs_hint = false} : vector<1024x256xf32>, vector<2048x256xf32>, vector<1024x2048xf32> -> vector<1024x2048xf32>
    %get3A_6 = arith.constant 0 : index
    %get3A_7 = arith.constant 0 : index
    %get3A_8 = vector.load %arg3[%get3A_6, %get3A_7] : memref<1x2048xf32, #tpu.memory_space<vmem>>, vector<1x2048xf32>
    %add3A = vector.broadcast %get3A_8 : vector<1x2048xf32> to vector<1024x2048xf32>
    %add3A_9 = arith.addf %dot_general3A_5, %add3A : vector<1024x2048xf32>
    %swap3A = arith.constant 0 : index
    %swap3A_10 = arith.constant 0 : index
    %swap3A_11 = vector.load %arg4[%swap3A, %swap3A_10] : memref<1024x2048xf32, #tpu.memory_space<vmem>>, vector<1024x2048xf32>
    tpu.vector_store %arg4[%swap3A, %swap3A_10], %add3A_9 {strides = array<i32>} : memref<1024x2048xf32, #tpu.memory_space<vmem>>, vector<1024x2048xf32>,
    return
  }
  func.func @transform_0(%arg0: i32) -> (i32, i32) {
    %c0_i32 = arith.constant 0 : i32
    %c0_i32_0 = arith.constant 0 : i32
    %c0_i32_1 = arith.constant 0 : i32
    return %c0_i32, %c0_i32_0 : i32, i32
  }
  func.func @transform_1(%arg0: i32) -> (i32, i32) {
    %c0_i32 = arith.constant 0 : i32
    %c0_i32_0 = arith.constant 0 : i32
    return %arg0, %c0_i32 : i32, i32
  }
  func.func @transform_2(%arg0: i32) -> (i32, i32) {
    %c0_i32 = arith.constant 0 : i32
    %c0_i32_0 = arith.constant 0 : i32
    return %c0_i32, %arg0 : i32, i32
  }
  func.func @transform_3(%arg0: i32) -> (i32, i32) {
    %c0_i32 = arith.constant 0 : i32
    %c0_i32_0 = arith.constant 0 : i32
    return %c0_i32, %arg0 : i32, i32
  }
}

</mosaic_0001>

<sc_bundles>
// kernel: kernel.4.cloned.1.call-start
scs
__scs_entry_jumppad:
0x0: {  	(pc) =	sbr.rel $0x88, $3  }
0x1: {  	(tag) =	ssettag $0x0;
	lr =	simm.s32 $0x1  }
0x2: {  	[smem:$0x3F9D] =	sst lr;
	_ =	strace $0xD0000000  }
0x3: {  	_ = 	snop  }
0x4: {  	_ = 	snop  }
0x5: {  	_ = 	snop  }
0x6: {  	_ = 	snop  }
0x7: {  	_ = 	snop  }
__scs_overlays_trampoline_lowered:
0x8: {  	[smem:$0x3FAC] =	sst s0  }
0x9: {  	[smem:$0x3FAD] =	sst s1  }
0xa: {  	[smem:$0x3FAE] =	sst s2  }
0xb: {  	[smem:$0x3FAF] =	sst s3  }
0xc: {  	[smem:$0x3FB0] =	sst s4  }
0xd: {  	[smem:$0x3FB1] =	sst s5  }
0xe: {  	[smem:$0x3FB2] =	sst s6  }
0xf: {  	[smem:$0x3FB3] =	sst s7  }
0x10: {  	[smem:$0x3FB4] =	sst s8  }
0x11: {  	[smem:$0x3FB5] =	sst s9;
	s0 =	simm.s32 @!p0 $0x0  }
0x12: {  	s1 =	sld [smem:$0x3F9B];
	s0 =	simm.s32 @p0 $0x1  }
0x13: {  	[smem:$0x3FB6] =	sst s0;
	s0 =	simm.s32 @!p1 $0x0  }
0x14: {  	s2 =	sld [smem:$0x3F9A];
	s0 =	simm.s32 @p1 $0x1  }
0x15: {  	[smem:$0x3FB7] =	sst s0;
	s0 =	simm.s32 @!p2 $0x0  }
0x16: {  	s3 =	sld [smem:$0x3FDB];
	s0 =	simm.s32 @p2 $0x1  }
0x17: {  	s4 =	simm.s32 $0x1BF5;
	[smem:$0x3FB9] =	sst s0  }
0x18: {  	s0 =	sld [smem:$0x3F9C];
	_ =	swait.ge [sflag:s4], $0x0  }
0x19: {  	s7 =	sld [smem:$0x3F9D]  }
0x1a: {  	s8 =	sadd.s32 $0xFFFFE003, lr  }
0x1b: {  	s9 =	sadd.s32 $0xFFFFFEF7, lr;
	s5 =	simm.s32 $0xFFFFFFFF;
	p2 =	slt.u32 s8, $0xFFFFF086  }
0x1c: {  	p1 =	slt.u32 s9, $0xF7A;
	s5 =	simm.s32 @!p2 $0x0  }
0x1d: {  	s5 =	simm.s32 @p1 $0x1;
	p0 =	seq.s32 s7, s2  }
0x1e: {  	s7 =	smul.u32 @!p0 $0xF7A, s2;
	p2 =	seq.s32 @!p0 s5, $0x0  }
0x1f: {  	s9 =	smul.u32 $0xF7A, s1;
	s8 =	simm.s32 @!p0 $0x1BF5;
	p2 =	por !p2, p0  }
0x20: {  	[sflag:s8] =	ssyncset.s32 @!p0 $0xFFFFF086;
	s6 =	sadd.s32 @!p0 s3, s7;
	s7 =	simm.s32 @!p0 $0x108  }
0x21: {  	s3 =	sadd.s32 s3, s9;
	s6 =	sadd.s32 @!p0 $0x88, s6;
	s7 =	simm.s32 @p2 $0x1082  }
0x22: {  	[simem:s7], [sflag:s8] =	dma.local @!p0 [hbm:s6], $0xF7A  }
0x23: {  	s9 =	sor.u32 $0xD0000000, s2;
	s6 =	simm.s32 $0x108;
	_ =	swait.ge @!p0 [sflag:s8], $0x0  }
0x24: {  	s3 =	sadd.s32 $0x88, s3;
	s6 =	simm.s32 @!p1 $0x1082;
	[sflag:s4] =	ssyncset.s32 $0xFFFFF086  }
0x25: {  	[simem:s6], [sflag:s4] =	dma.local [hbm:s3], $0xF7A  }
0x26: {  	[smem:$0x3F9D] =	sst s1;
	(tag) =	ssettag s2;
	_ =	strace s9  }
0x27: {  	s1 =	sld [smem:$0x3FAD]  }
0x28: {  	s2 =	sld [smem:$0x3FAE]  }
0x29: {  	s4 =	sld [smem:$0x3FB0]  }
0x2a: {  	p0 =	seq.s32 s5, $0x0;
	s5 =	sld [smem:$0x3FB1]  }
0x2b: {  	s6 =	sld [smem:$0x3FB2]  }
0x2c: {  	s7 =	sld [smem:$0x3FB3]  }
0x2d: {  	s3 =	simm.s32 $0x108;
	s8 =	sld [smem:$0x3FB4]  }
0x2e: {  	s3 =	simm.s32 @!p0 $0x1082;
	s9 =	sld [smem:$0x3FB5]  }
0x2f: {  	lr =	sadd.s32 s0, s3;
	s0 =	sld [smem:$0x3FAC]  }
0x30: {  	s3 =	sld [smem:$0x3FAF]  }
0x31: {  	[smem:$0x3FB8] =	sst s10  }
0x32: {  	s10 =	sld [smem:$0x3FB6];
	_ =	sdelay $0x3  }
0x33: {  	p0 =	seq.s32 s10, $0x1;
	s10 =	sld [smem:$0x3FB8];
	_ =	sdelay $0x3  }
0x34: {  	[smem:$0x3FB8] =	sst s10  }
0x35: {  	s10 =	sld [smem:$0x3FB7];
	_ =	sdelay $0x3  }
0x36: {  	p1 =	seq.s32 s10, $0x1;
	s10 =	sld [smem:$0x3FB8];
	_ =	sdelay $0x3  }
0x37: {  	[smem:$0x3FB8] =	sst s10  }
0x38: {  	s10 =	sld [smem:$0x3FB9]  }
0x39: {  	_ = 	snop;
	(pc) =	sbr.ind lr, $3  }
0x3a: {  	_ = 	snop  }
0x3b: {  	_ = 	snop  }
0x3c: {  	p2 =	seq.s32 s10, $0x1;
	s10 =	sld [smem:$0x3FB8]  }
0x3d: {  	_ =	shalt  }
0x3e: {  	_ =	shalt  }
0x3f: {  	_ =	shalt  }
0x40: {  	_ =	shalt  }
0x41: {  	_ =	shalt  }
0x42: {  	_ =	shalt  }
0x43: {  	_ =	shalt  }
0x44: {  	_ =	shalt  }
0x45: {  	_ =	shalt  }
0x46: {  	_ =	shalt  }
0x47: {  	_ =	shalt  }
0x48: {  	_ =	shalt  }
0x49: {  	_ =	shalt  }
0x4a: {  	_ =	shalt  }
0x4b: {  	_ =	shalt  }
0x4c: {  	_ =	shalt  }
0x4d: {  	_ =	shalt  }
0x4e: {  	_ =	shalt  }
0x4f: {  	_ =	shalt  }
0x50: {  	_ =	shalt  }
0x51: {  	_ =	shalt  }
0x52: {  	_ =	shalt  }
0x53: {  	_ =	shalt  }
0x54: {  	_ =	shalt  }
0x55: {  	_ =	shalt  }
0x56: {  	_ =	shalt  }
0x57: {  	_ =	shalt  }
0x58: {  	_ =	shalt  }
0x59: {  	_ =	shalt  }
0x5a: {  	_ =	shalt  }
0x5b: {  	_ =	shalt  }
0x5c: {  	_ =	shalt  }
0x5d: {  	_ =	shalt  }
0x5e: {  	_ =	shalt  }
0x5f: {  	_ =	shalt  }
0x60: {  	_ =	shalt  }
0x61: {  	_ =	shalt  }
0x62: {  	_ =	shalt  }
0x63: {  	_ =	shalt  }
0x64: {  	_ =	shalt  }
0x65: {  	_ =	shalt  }
0x66: {  	_ =	shalt  }
0x67: {  	_ =	shalt  }
0x68: {  	_ =	shalt  }
0x69: {  	_ =	shalt  }
0x6a: {  	_ =	shalt  }
0x6b: {  	_ =	shalt  }
0x6c: {  	_ =	shalt  }
0x6d: {  	_ =	shalt  }
0x6e: {  	_ =	shalt  }
0x6f: {  	_ =	shalt  }
0x70: {  	_ =	shalt  }
0x71: {  	_ =	shalt  }
0x72: {  	_ =	shalt  }
0x73: {  	_ =	shalt  }
0x74: {  	_ =	shalt  }
0x75: {  	_ =	shalt  }
0x76: {  	_ =	shalt  }
0x77: {  	_ =	shalt  }
0x78: {  	_ =	shalt  }
0x79: {  	_ =	shalt  }
0x7a: {  	_ =	shalt  }
0x7b: {  	_ =	shalt  }
0x7c: {  	_ =	shalt  }
0x7d: {  	_ =	shalt  }
0x7e: {  	_ =	shalt  }
0x7f: {  	_ =	shalt  }
0x80: {  	_ =	shalt  }
0x81: {  	_ =	shalt  }
0x82: {  	_ =	shalt  }
0x83: {  	_ =	shalt  }
0x84: {  	_ =	shalt  }
0x85: {  	_ =	shalt  }
0x86: {  	_ =	shalt  }
0x87: {  	_ =	shalt  }
.Lfunc_end0:
.L_simem_size_0:
called_computation_lowered:
.L_overlay_start_0:
0x88: {  	s2 =	sld [smem:$0x3FD9]  }
0x89: {  	s3 =	sld [smem:$0x3FFE];
	_ =	sdelay $0x1  }
0x8a: {  	s1 =	srdreg.scid  }
0x8b: {  	s0 =	sand.u32 $0x1, s1  }
0x8c: {  	s17 =	sshll.u32 s0, $0xA;
	s2 =	sadd.s32 s3, s2  }
0x8d: {  	s2 =	sadd.s32 s2, s17  }
0x8e: {  	[smem:$0x3FC4] =	sst s2  }
0x8f: {  	_ = 	snop  }
0x90: {  	s2 =	sld [smem:$0x3FD0];
	(tm) =	ssettm $0x1  }
0x91: {  	s18 =	sld [smem:$0x3FFB];
	_ =	sdelay $0x3  }
0x92: {  	_ =	strace s18  }
0x93: {  	s3 =	sld [smem:$0x3FFC];
	_ =	sdelay $0x3  }
0x94: {  	_ =	strace s3  }
0x95: {  	s3 =	sld [smem:$0x3FFD];
	_ =	sdelay $0x3  }
0x96: {  	_ =	strace s3  }
0x97: {  	_ =	strace $0x8FFFFFFF  }
0x98: {  	s19 =	sld [smem:$0x3FDB];
	_ =	sdelay $0x1  }
0x99: {  	s4 =	simm.s32 $_scs_section_size  }
0x9a: {  	s5 =	simm.s32 $_size__tile_overlayer_lowered;
	s6 =	simm.s32 $_tile_overlayer_lowered  }
0x9b: {  	s22 =	simm.s32 $0x1BFF;
	s21 =	sshll.u32 s6, $0x1;
	s3 =	sadd.s32 s4, s19  }
0x9c: {  	s7 =	simm.s32 $0x0;
	s20 =	sshll.u32 s5, $0x1;
	s5 =	sadd.s32 s21, s3  }
0x9d: {  	[timem:s7], [sflag:s22] =	dma.local [hbm:s5], s20  }
0x9e: {  	_ =	swait.ge [sflag:s22], s20  }
0x9f: {  	s4 =	ssub.s32 $0x0, s20;
	[sflag:s22] =	ssyncset.done $0x0  }
0xa0: {  	[sflag:s22] =	ssyncadd.s32 s4;
	_ =	sdelay $0x1  }
0xa1: {  	s23 =	simm.s32 $0x1B8B  }
0xa2: {  	_ =	swait.ge [sflag:s23], $0x1  }
0xa3: {  	[sflag:s23] =	ssyncset.done $0x0  }
0xa4: {  	s25 =	simm.s32 $0x1B8E;
	s24 =	sld [smem:$0x3FFE];
	[sflag:s23] =	ssyncadd.s32 $0xFFFFFFFF  }
0xa5: {  	s26 =	simm.s32 $execute0_lowered;
	[smem:$0x3FD2] =	sst s25  }
0xa6: {  	s5 =	sshll.u32 s26, $0x1;
	_ =	strace $0x80000046;
	[dreg:$0x1] =	wrdreg $0xFFFFFFFF  }
0xa7: {  	s28 =	simm.s32 $_size_execute0_lowered;
	s3 =	sadd.s32 s3, s5;
	[dreg:$0x0] =	wrdreg $0x0  }
0xa8: {  	s5 =	sshll.u32 s28, $0x1;
	[dreg:$0x2] =	wrdreg s3  }
0xa9: {  	[dreg:$0x3] =	wrdreg s5  }
0xaa: {  	[dreg:$0x4] =	wrdreg $0xC0  }
0xab: {  	_ =	task [dreg:s7], $0x5FFFF  }
0xac: {  	[dreg:$0x1] =	wrdreg $0xFFFFFFFF  }
0xad: {  	[dreg:$0x0] =	wrdreg $0x60  }
0xae: {  	[dreg:$0x2] =	wrdreg s24  }
0xaf: {  	[dreg:$0x3] =	wrdreg s2  }
0xb0: {  	[dreg:$0x4] =	wrdreg $0x9  }
0xb1: {  	_ =	task.clear_ibuf [dreg:s7], $0x5FFFF;
	_ =	strace $0x90000046  }
0xb2: {  	s29 =	simm.s32 $0x9;
	_ =	strace $0x80000048  }
0xb3: {  	_ =	swait.ge [sflag:s29], $0x1  }
0xb4: {  	[sflag:s29] =	ssyncadd.s32 $0xFFFFFFFF  }
0xb5: {  	_ =	strace $0x90000048  }
0xb6: {  	_ =	sfence  }
0xb7: {  	s30 =	sld [smem:$0x0];
	_ =	sdelay $0x2  }
0xb8: {  	s31 =	sshll.u32 s1, $0xD;
	s1 =	sshrl.u32 s1, $0x2  }
0xb9: {  	s3 =	sand.u32 $0x4000, s31;
	s1 =	sadd.s32 s1, s30  }
0xba: {  	s0 =	sor.u32 s3, s0;
	s1 =	sshll.u32 s1, $0x11  }
0xbb: {  	s0 =	sor.u32 s1, s0  }
0xbc: {  	s0 =	sadd.s32 $0x8F2B, s0  }
0xbd: {  	[sflag:s0] =	ssyncadd.remote.s32 $0x1  }
0xbe: {  	_ =	sfence.sel $0xFFFF  }
0xbf: {  	[dreg:$0x0] =	wrdreg $0xFFFFFFFF;
	(pc) =	sbr.abs _section_cstart, $3  }
0xc0: {  	[dreg:$0x1] =	wrdreg $0xFFFFFFFF  }
0xc1: {  	_ =	task.clear_ibuf [dreg:s7], $0x2FFFF;
	_ =	strace $0x9FFFFFFF  }
0xc2: {  	(tm) =	ssettm $0x7FFFFFFF  }
0xc3: {  	_ =	shalt  }
tec
execute0_lowered:
.L_overlay_start_1:
0x0: {  	(tag) =	ssettag $0x1  }
0x1: {  	s1 =	srdreg.scid;
	s5 =	rddreg [dreg:$0x0]  }
0x2: {  	s0 =	stileid.u32;
	s2 =	rddreg [dreg:$0x1]  }
0x3: {  	s3 =	simm.s32 $0x0;
	s9 =	simm.s32 $0x64;
	s10 =	simm.s32 $0x1000  }
0x4: {  	s11 =	simm.s32 $0x1;
	s12 =	simm.s32 $0x80;
	s13 =	simm.s32 $0x400  }
0x5: {  	s14 =	simm.s32 $0x4400;
	s15 =	simm.s32 $0x0;
	s6 =	sand.u32 $0x1, s1  }
0x6: {  	s4 =	sshll.u32 s0, $0x6;
	s1 =	rddreg [dreg:$0x2];
	s7 =	sshll.u32 s6, $0x5  }
0x7: {  	[smem:$0x7FF] =	sst s3;
	s6 =	ssub.s32 $0x2, s6;
	s4 =	sor.u32 s7, s4  }
0x8: {  	_ =	strace $0x80000047;
	s8 =	sshrl.u32 s6, $0x1;
	s7 =	sshll.u32 s4, $0x4  }
0x9: {  	s8 =	ssub.s32 s6, s8;
	s7 =	sadd.s32 s7, s5;
	s5 =	sadd.s32 $0x4A00, s5  }
0xa: {  	s6 =	sadd.s32 $0xA00, s7;
	s7 =	smax.u32 s8, $0x1;
	s8 =	simm.s32 $0x2  }
.LBB2_1:
0xb: {  	[tilespmem:s3], [sflag:$0x2] =	stream.linear.gather [hbm4b:s6+s3], $0x1000, $0x38;
	[tilespmem:$0x4500] =	vst v63  }
0xc: {  	_ =	swait.ge [sflag:s8], $0x1000  }
0xd: {  	[sflag:s8] =	ssyncset.done $0x0  }
0xe: {  	s16 =	simm.s32 $0x0;
	[sflag:s8] =	ssyncadd.s32 $0xFFFFF000  }
.LBB2_2:
0xf: {  	s17 =	sshll.u32 s16, $0x7  }
0x10: {  	s17 =	sand.u32 $0x3FFFFF80, s17  }
0x11: {  	[tilespmem:s10], [sflag:$0x1] =	stream.indirect.gather [hbm4b:s2+s9], $0x80, s17, s9, $0xb8;
	[tilespmem:$0x4500] =	vst v63  }
0x12: {  	_ =	swait.ge [sflag:s11], $0x3200  }
0x13: {  	[sflag:s11] =	ssyncset.done $0x0  }
0x14: {  	s18 =	simm.s32 $0x0;
	[sflag:s11] =	ssyncadd.s32 $0xFFFFCE00  }
0x15: {  	v0 =	vimm.f32 $0.0e+00;
	v1 =	vimm.f32 $0.0e+00;
	s17 =	simm.s32 $0x400;
	v2 =	vld [tilespmem:s18+$0x1000]  }
.LBB2_3:
0x16: {  	p0 =	sne.s32 s17, $0xC400  }
.Ltmp0:
0x17: {  	_ = 	snop;
	(pc) =	sbr.rel @p0 .LBB2_3-.Ltmp0, $3  }
0x18: {  	_ =	sdelay $0x1  }
0x19: {  	s18 =	sshra.s32 s17, $0x2;
	s17 =	sadd.s32 $0x400, s17;
	v1 =	vadd.f32 v2, v1  }
0x1a: {  	v2 =	vld [tilespmem:s18+$0x1000]  }
0x1b: {  	_ =	sdelay $0x2  }
0x1c: {  	s18 =	simm.s32 $0x80  }
0x1d: {  	s17 =	simm.s32 $0x600;
	v1 =	vadd.f32 v2, v1;
	v2 =	vld [tilespmem:s18+$0x1000]  }
.LBB2_5:
0x1e: {  	p0 =	sne.s32 s17, $0xC600  }
.Ltmp1:
0x1f: {  	_ = 	snop;
	(pc) =	sbr.rel @p0 .LBB2_5-.Ltmp1, $3  }
0x20: {  	_ =	sdelay $0x1  }
0x21: {  	s18 =	sshra.s32 s17, $0x2;
	s17 =	sadd.s32 $0x400, s17;
	v0 =	vadd.f32 v2, v0  }
0x22: {  	v2 =	vld [tilespmem:s18+$0x1000]  }
0x23: {  	_ =	sdelay $0x3  }
0x24: {  	v0 =	vadd.f32 v2, v0  }
0x25: {  	v1 =	vmul.f32 $1.999999960e-02, v1  }
0x26: {  	v0 =	vmul.f32 $1.999999960e-02, v0  }
0x27: {  	[tilespmem:$0x4400] =	vst v1  }
0x28: {  	s18 =	simm.s32 $0x10;
	[tilespmem:$0x4480] =	vst v0  }
0x29: {  	s17 =	simm.s32 $0x440;
	v1 =	vimm.f32 $0.0e+00;
	v0 =	vimm.f32 $0.0e+00;
	v2 =	vld [tilespmem:s18+$0x1000]  }
.LBB2_7:
0x2a: {  	p0 =	sne.s32 s17, $0xC440  }
.Ltmp2:
0x2b: {  	_ = 	snop;
	(pc) =	sbr.rel @p0 .LBB2_7-.Ltmp2, $3  }
0x2c: {  	_ =	sdelay $0x1  }
0x2d: {  	s18 =	sshra.s32 s17, $0x2;
	s17 =	sadd.s32 $0x400, s17;
	v1 =	vadd.f32 v2, v1  }
0x2e: {  	v2 =	vld [tilespmem:s18+$0x1000]  }
0x2f: {  	_ =	sdelay $0x2  }
0x30: {  	s18 =	simm.s32 $0x90  }
0x31: {  	s17 =	simm.s32 $0x640;
	v1 =	vadd.f32 v2, v1;
	v2 =	vld [tilespmem:s18+$0x1000]  }
.LBB2_9:
0x32: {  	p0 =	sne.s32 s17, $0xC640  }
.Ltmp3:
0x33: {  	_ = 	snop;
	(pc) =	sbr.rel @p0 .LBB2_9-.Ltmp3, $3  }
0x34: {  	_ =	sdelay $0x1  }
0x35: {  	s18 =	sshra.s32 s17, $0x2;
	s17 =	sadd.s32 $0x400, s17;
	v0 =	vadd.f32 v2, v0  }
0x36: {  	v2 =	vld [tilespmem:s18+$0x1000]  }
0x37: {  	_ =	sdelay $0x3  }
0x38: {  	v0 =	vadd.f32 v2, v0  }
0x39: {  	v1 =	vmul.f32 $1.999999960e-02, v1  }
0x3a: {  	v0 =	vmul.f32 $1.999999960e-02, v0  }
0x3b: {  	[tilespmem:$0x4410] =	vst v1  }
0x3c: {  	s18 =	simm.s32 $0x20;
	[tilespmem:$0x4490] =	vst v0  }
0x3d: {  	s17 =	simm.s32 $0x480;
	v1 =	vimm.f32 $0.0e+00;
	v0 =	vimm.f32 $0.0e+00;
	v2 =	vld [tilespmem:s18+$0x1000]  }
.LBB2_11:
0x3e: {  	p0 =	sne.s32 s17, $0xC480  }
.Ltmp4:
0x3f: {  	_ = 	snop;
	(pc) =	sbr.rel @p0 .LBB2_11-.Ltmp4, $3  }
0x40: {  	_ =	sdelay $0x1  }
0x41: {  	s18 =	sshra.s32 s17, $0x2;
	s17 =	sadd.s32 $0x400, s17;
	v1 =	vadd.f32 v2, v1  }
0x42: {  	v2 =	vld [tilespmem:s18+$0x1000]  }
0x43: {  	_ =	sdelay $0x2  }
0x44: {  	s18 =	simm.s32 $0xA0  }
0x45: {  	s17 =	simm.s32 $0x680;
	v1 =	vadd.f32 v2, v1;
	v2 =	vld [tilespmem:s18+$0x1000]  }
.LBB2_13:
0x46: {  	p0 =	sne.s32 s17, $0xC680  }
.Ltmp5:
0x47: {  	_ = 	snop;
	(pc) =	sbr.rel @p0 .LBB2_13-.Ltmp5, $3  }
0x48: {  	_ =	sdelay $0x1  }
0x49: {  	s18 =	sshra.s32 s17, $0x2;
	s17 =	sadd.s32 $0x400, s17;
	v0 =	vadd.f32 v2, v0  }
0x4a: {  	v2 =	vld [tilespmem:s18+$0x1000]  }
0x4b: {  	_ =	sdelay $0x3  }
0x4c: {  	v0 =	vadd.f32 v2, v0  }
0x4d: {  	v1 =	vmul.f32 $1.999999960e-02, v1  }
0x4e: {  	v0 =	vmul.f32 $1.999999960e-02, v0  }
0x4f: {  	[tilespmem:$0x4420] =	vst v1  }
0x50: {  	s18 =	simm.s32 $0x30;
	[tilespmem:$0x44A0] =	vst v0  }
0x51: {  	s17 =	simm.s32 $0x4C0;
	v1 =	vimm.f32 $0.0e+00;
	v0 =	vimm.f32 $0.0e+00;
	v2 =	vld [tilespmem:s18+$0x1000]  }
.LBB2_15:
0x52: {  	p0 =	sne.s32 s17, $0xC4C0  }
.Ltmp6:
0x53: {  	_ = 	snop;
	(pc) =	sbr.rel @p0 .LBB2_15-.Ltmp6, $3  }
0x54: {  	_ =	sdelay $0x1  }
0x55: {  	s18 =	sshra.s32 s17, $0x2;
	s17 =	sadd.s32 $0x400, s17;
	v1 =	vadd.f32 v2, v1  }
0x56: {  	v2 =	vld [tilespmem:s18+$0x1000]  }
0x57: {  	_ =	sdelay $0x2  }
0x58: {  	s18 =	simm.s32 $0xB0  }
0x59: {  	s17 =	simm.s32 $0x6C0;
	v1 =	vadd.f32 v2, v1;
	v2 =	vld [tilespmem:s18+$0x1000]  }
.LBB2_17:
0x5a: {  	p0 =	sne.s32 s17, $0xC6C0  }
.Ltmp7:
0x5b: {  	_ = 	snop;
	(pc) =	sbr.rel @p0 .LBB2_17-.Ltmp7, $3  }
0x5c: {  	_ =	sdelay $0x1  }
0x5d: {  	s18 =	sshra.s32 s17, $0x2;
	s17 =	sadd.s32 $0x400, s17;
	v0 =	vadd.f32 v2, v0  }
0x5e: {  	v2 =	vld [tilespmem:s18+$0x1000]  }
0x5f: {  	_ =	sdelay $0x3  }
0x60: {  	v0 =	vadd.f32 v2, v0  }
0x61: {  	v1 =	vmul.f32 $1.999999960e-02, v1  }
0x62: {  	v0 =	vmul.f32 $1.999999960e-02, v0  }
0x63: {  	[tilespmem:$0x4430] =	vst v1  }
0x64: {  	s18 =	simm.s32 $0x40;
	[tilespmem:$0x44B0] =	vst v0  }
0x65: {  	s17 =	simm.s32 $0x500;
	v1 =	vimm.f32 $0.0e+00;
	v0 =	vimm.f32 $0.0e+00;
	v2 =	vld [tilespmem:s18+$0x1000]  }
.LBB2_19:
0x66: {  	p0 =	sne.s32 s17, $0xC500  }
.Ltmp8:
0x67: {  	_ = 	snop;
	(pc) =	sbr.rel @p0 .LBB2_19-.Ltmp8, $3  }
0x68: {  	_ =	sdelay $0x1  }
0x69: {  	s18 =	sshra.s32 s17, $0x2;
	s17 =	sadd.s32 $0x400, s17;
	v1 =	vadd.f32 v2, v1  }
0x6a: {  	v2 =	vld [tilespmem:s18+$0x1000]  }
0x6b: {  	_ =	sdelay $0x2  }
0x6c: {  	s18 =	simm.s32 $0xC0  }
0x6d: {  	s17 =	simm.s32 $0x700;
	v1 =	vadd.f32 v2, v1;
	v2 =	vld [tilespmem:s18+$0x1000]  }
.LBB2_21:
0x6e: {  	p0 =	sne.s32 s17, $0xC700  }
.Ltmp9:
0x6f: {  	_ = 	snop;
	(pc) =	sbr.rel @p0 .LBB2_21-.Ltmp9, $3  }
0x70: {  	_ =	sdelay $0x1  }
0x71: {  	s18 =	sshra.s32 s17, $0x2;
	s17 =	sadd.s32 $0x400, s17;
	v0 =	vadd.f32 v2, v0  }
0x72: {  	v2 =	vld [tilespmem:s18+$0x1000]  }
0x73: {  	_ =	sdelay $0x3  }
0x74: {  	v0 =	vadd.f32 v2, v0  }
0x75: {  	v1 =	vmul.f32 $1.999999960e-02, v1  }
0x76: {  	v0 =	vmul.f32 $1.999999960e-02, v0  }
0x77: {  	[tilespmem:$0x4440] =	vst v1  }
0x78: {  	s18 =	simm.s32 $0x50;
	[tilespmem:$0x44C0] =	vst v0  }
0x79: {  	s17 =	simm.s32 $0x540;
	v1 =	vimm.f32 $0.0e+00;
	v0 =	vimm.f32 $0.0e+00;
	v2 =	vld [tilespmem:s18+$0x1000]  }
.LBB2_23:
0x7a: {  	p0 =	sne.s32 s17, $0xC540  }
.Ltmp10:
0x7b: {  	_ = 	snop;
	(pc) =	sbr.rel @p0 .LBB2_23-.Ltmp10, $3  }
0x7c: {  	_ =	sdelay $0x1  }
0x7d: {  	s18 =	sshra.s32 s17, $0x2;
	s17 =	sadd.s32 $0x400, s17;
	v1 =	vadd.f32 v2, v1  }
0x7e: {  	v2 =	vld [tilespmem:s18+$0x1000]  }
0x7f: {  	_ =	sdelay $0x2  }
0x80: {  	s18 =	simm.s32 $0xD0  }
0x81: {  	s17 =	simm.s32 $0x740;
	v1 =	vadd.f32 v2, v1;
	v2 =	vld [tilespmem:s18+$0x1000]  }
.LBB2_25:
0x82: {  	p0 =	sne.s32 s17, $0xC740  }
.Ltmp11:
0x83: {  	_ = 	snop;
	(pc) =	sbr.rel @p0 .LBB2_25-.Ltmp11, $3  }
0x84: {  	_ =	sdelay $0x1  }
0x85: {  	s18 =	sshra.s32 s17, $0x2;
	s17 =	sadd.s32 $0x400, s17;
	v0 =	vadd.f32 v2, v0  }
0x86: {  	v2 =	vld [tilespmem:s18+$0x1000]  }
0x87: {  	_ =	sdelay $0x3  }
0x88: {  	v0 =	vadd.f32 v2, v0  }
0x89: {  	v1 =	vmul.f32 $1.999999960e-02, v1  }
0x8a: {  	v0 =	vmul.f32 $1.999999960e-02, v0  }
0x8b: {  	[tilespmem:$0x4450] =	vst v1  }
0x8c: {  	s18 =	simm.s32 $0x60;
	[tilespmem:$0x44D0] =	vst v0  }
0x8d: {  	s17 =	simm.s32 $0x580;
	v1 =	vimm.f32 $0.0e+00;
	v0 =	vimm.f32 $0.0e+00;
	v2 =	vld [tilespmem:s18+$0x1000]  }
.LBB2_27:
0x8e: {  	p0 =	sne.s32 s17, $0xC580  }
.Ltmp12:
0x8f: {  	_ = 	snop;
	(pc) =	sbr.rel @p0 .LBB2_27-.Ltmp12, $3  }
0x90: {  	_ =	sdelay $0x1  }
0x91: {  	s18 =	sshra.s32 s17, $0x2;
	s17 =	sadd.s32 $0x400, s17;
	v1 =	vadd.f32 v2, v1  }
0x92: {  	v2 =	vld [tilespmem:s18+$0x1000]  }
0x93: {  	_ =	sdelay $0x2  }
0x94: {  	s18 =	simm.s32 $0xE0  }
0x95: {  	s17 =	simm.s32 $0x780;
	v1 =	vadd.f32 v2, v1;
	v2 =	vld [tilespmem:s18+$0x1000]  }
.LBB2_29:
0x96: {  	p0 =	sne.s32 s17, $0xC780  }
.Ltmp13:
0x97: {  	_ = 	snop;
	(pc) =	sbr.rel @p0 .LBB2_29-.Ltmp13, $3  }
0x98: {  	_ =	sdelay $0x1  }
0x99: {  	s18 =	sshra.s32 s17, $0x2;
	s17 =	sadd.s32 $0x400, s17;
	v0 =	vadd.f32 v2, v0  }
0x9a: {  	v2 =	vld [tilespmem:s18+$0x1000]  }
0x9b: {  	_ =	sdelay $0x3  }
0x9c: {  	v0 =	vadd.f32 v2, v0  }
0x9d: {  	v1 =	vmul.f32 $1.999999960e-02, v1  }
0x9e: {  	v0 =	vmul.f32 $1.999999960e-02, v0  }
0x9f: {  	[tilespmem:$0x4460] =	vst v1  }
0xa0: {  	s18 =	simm.s32 $0x70;
	[tilespmem:$0x44E0] =	vst v0  }
0xa1: {  	s17 =	simm.s32 $0x5C0;
	v1 =	vimm.f32 $0.0e+00;
	v0 =	vimm.f32 $0.0e+00;
	v2 =	vld [tilespmem:s18+$0x1000]  }
.LBB2_31:
0xa2: {  	p0 =	sne.s32 s17, $0xC5C0  }
.Ltmp14:
0xa3: {  	_ = 	snop;
	(pc) =	sbr.rel @p0 .LBB2_31-.Ltmp14, $3  }
0xa4: {  	_ =	sdelay $0x1  }
0xa5: {  	s18 =	sshra.s32 s17, $0x2;
	s17 =	sadd.s32 $0x400, s17;
	v1 =	vadd.f32 v2, v1  }
0xa6: {  	v2 =	vld [tilespmem:s18+$0x1000]  }
0xa7: {  	_ =	sdelay $0x2  }
0xa8: {  	s18 =	simm.s32 $0xF0  }
0xa9: {  	s17 =	simm.s32 $0x7C0;
	v1 =	vadd.f32 v2, v1;
	v2 =	vld [tilespmem:s18+$0x1000]  }
.LBB2_33:
0xaa: {  	p0 =	sne.s32 s17, $0xC7C0  }
.Ltmp15:
0xab: {  	_ = 	snop;
	(pc) =	sbr.rel @p0 .LBB2_33-.Ltmp15, $3  }
0xac: {  	_ =	sdelay $0x1  }
0xad: {  	s18 =	sshra.s32 s17, $0x2;
	s17 =	sadd.s32 $0x400, s17;
	v0 =	vadd.f32 v2, v0  }
0xae: {  	v2 =	vld [tilespmem:s18+$0x1000]  }
0xaf: {  	_ =	sdelay $0x3  }
0xb0: {  	v0 =	vadd.f32 v2, v0  }
0xb1: {  	v1 =	vmul.f32 $1.999999960e-02, v1;
	s17 =	sadd.s32 s4, s16;
	s18 =	sshll.u32 s16, $0x4  }
0xb2: {  	s16 =	sadd.s32 $0x1, s16;
	s17 =	sshll.u32 s17, $0x5;
	s18 =	sand.u32 $0x70, s18;
	v0 =	vmul.f32 $1.999999960e-02, v0  }
0xb3: {  	p0 =	sne.s32 s16, $0x20;
	[tilespmem:$0x4470] =	vst v1;
	s17 =	sand.u32 $0x7F00, s17;
	s18 =	sadd.s32 s5, s18  }
.Ltmp16:
0xb4: {  	s17 =	sadd.s32 s17, s18;
	[tilespmem:$0x44F0] =	vst v0;
	(pc) =	sbr.rel @p0 .LBB2_2-.Ltmp16, $4  }
0xb5: {  	[hbm4b:s17+s12] =	stream.strided.scatter [tilespmem:s14], [sflag:$0x2], $0x100, s13, s12, $0x38;
	[tilespmem:$0x4500] =	vst v63  }
0xb6: {  	_ =	swait.ge [sflag:s8], $0x100  }
0xb7: {  	[sflag:s8] =	ssyncset.done $0x0  }
0xb8: {  	[sflag:s8] =	ssyncadd.s32 $0xFFFFFF00  }
0xb9: {  	s15 =	sadd.s32 $0x1, s15  }
0xba: {  	p0 =	sne.s32 s15, s7  }
.Ltmp17:
0xbb: {  	_ = 	snop;
	(pc) =	sbr.rel @p0 .LBB2_1-.Ltmp17, $1  }
0xbc: {  	_ =	sdelay $0x3  }
0xbd: {  	_ =	sfence.sel $0x180000  }
0xbe: {  	[bflag:$0x0] =	sbarrier.arrive $0xFFFF  }
0xbf: {  	p0 =	sne.s32 s0, $0x0;
	_ =	strace $0x90000047  }
0xc0: {  	s0 =	sadd.s32 @!p0 $0x100000, s1;
	[bflag:$0x2] =	sbarrier.arrive $0xFFFF  }
0xc1: {  	[sflag:s0] =	ssyncadd.tile.s32 @!p0 $0x1;
	_ =	shalt  }
.Lfunc_end2:
_tile_overlayer_lowered:
.L_overlay_start_2:
0xc2: {  	(tag) =	ssettag $0x2  }
0xc3: {  	s0 =	rddreg [dreg:$0x0];
	s2 =	stileid.u32  }
0xc4: {  	s1 =	rddreg [dreg:$0x1];
	p0 =	sne.s32 s2, $0x0  }
0xc5: {  	s3 =	rddreg [dreg:$0x2];
	[bflag:$0x3] =	sbarrier.arrive $0xFFFF;
	s2 =	simm.s32 @!p0 $0x1C02  }
0xc6: {  	[timem:s3], [sflag:s2] =	dma.local @!p0 [hbm:s0], s1  }
0xc7: {  	s0 =	simm.s32 @!p0 $0x2  }
0xc8: {  	_ =	swait.ge @!p0 [sflag:s0], s1  }
0xc9: {  	s1 =	ssub.s32 @!p0 $0x0, s1;
	[sflag:s0] =	ssyncset.done @!p0 $0x0  }
0xca: {  	[sflag:s0] =	ssyncadd.s32 @!p0 s1  }
0xcb: {  	[bflag:$0x3] =	sbarrier.arrive $0xFFFF  }
0xcc: {  	_ =	shalt  }

</sc_bundles>
